<compile_context>
chip_gen: v7x
topology: tpu7x:2x2x1
jax: 0.10.2.dev20260603
libtpu: 0.0.44.dev20260713+nightly
codegen_flags: <defaults>
</compile_context>

<pallas_src>
import functools

import numpy as np
import jax
import jax.numpy as jnp
from jax import lax
from jax.experimental import pallas as pl
from jax.experimental.pallas import tpu as pltpu
from jax.experimental.pallas import tpu_sc as plsc

_N = 4
_ROWS = 16384
_COLS = 2 ** _N
_NC = 1
_NW = _NC * 16
_RPW = _ROWS // _NW
_TILE = 16
_TILES = _RPW // _TILE

_bits = ((np.arange(_COLS)[:, None] & (2 ** np.arange(_N - 1, -1, -1))) != 0)
_SIGNS = [np.where(_bits[:, 2 * i] == _bits[:, 2 * i + 1], 1, -1)
          for i in range(_N // 2)]

_mesh = plsc.VectorSubcoreMesh(
    core_axis_name="c", subcore_axis_name="s", num_cores=_NC)


@functools.partial(
    pl.kernel,
    mesh=_mesh,
    out_type=jax.ShapeDtypeStruct((2, _ROWS), jnp.float32),
    scratch_types=[
        pltpu.VMEM((_COLS, _RPW), jnp.float32),
        pltpu.VMEM((2, _RPW), jnp.float32),
    ],
    compiler_params=pltpu.CompilerParams(
        needs_layout_passes=False,
        skip_device_barrier=True,
        disable_bounds_checks=True,
        disable_semaphore_checks=True,
    ),
)
def _decode_sc(xt_hbm, out_hbm, xv, ov):
    wid = lax.axis_index("s") * _NC + lax.axis_index("c")
    base = wid * _RPW
    pltpu.sync_copy(xt_hbm.at[:, pl.ds(base, _RPW)], xv)

    def body(t, carry):
        off = pl.multiple_of(t * _TILE, _TILE)
        acc = [None, None]
        for j in range(_COLS):
            col = xv[j, pl.ds(off, _TILE)]
            for i in range(2):
                if acc[i] is None:
                    acc[i] = col if _SIGNS[i][j] > 0 else -col
                elif _SIGNS[i][j] > 0:
                    acc[i] = acc[i] + col
                else:
                    acc[i] = acc[i] - col
        ov[0, pl.ds(off, _TILE)] = acc[0]
        ov[1, pl.ds(off, _TILE)] = acc[1]
        return carry

    lax.fori_loop(0, _TILES, body, 0)

    pltpu.sync_copy(ov, out_hbm.at[:, pl.ds(base, _RPW)])


def kernel(input):
    return _decode_sc(input.T).T

# --- scband reference (transcript-rebuilt; emitter-appended) ---
"""Pipeline reference for scband-decode-layer-25890062860527 (READ-ONLY COPY).

The authoritative reference and input builder live on the scoring server;
editing this copy changes nothing except your own understanding.
"""

import jax, jax.numpy as jnp
import numpy as np

NUM_QUBITS = 4

def _build_indices():
    n = NUM_QUBITS
    basis = np.arange(2 ** n)
    mask = 2 ** np.arange(n - 1, -1, -1)
    states = ((basis[:, None] & mask) != 0).astype(np.float32)
    high, low = [], []
    for i in range(n // 2):
        ind = i * 2
        hi = [j for j, s in enumerate(states)
              if (s[ind] == 1 and s[ind + 1] == 1) or (s[ind] == 0 and s[ind + 1] == 0)]
        lo = sorted(set(range(n ** 2)) - set(hi))
        high.append(hi)
        low.append(lo)
    return np.asarray(high, dtype=np.int32), np.asarray(low, dtype=np.int32)

HIGH_IDX, LOW_IDX = _build_indices()

def setup_inputs(seed: int = 0):
    key = jax.random.key(seed)
    x = jax.random.normal(key, (16384, 16), dtype=jnp.float32)
    return {"input": x}

def reference(input):
    x = input
    evs = []
    for i in range(NUM_QUBITS // 2):
        hi = jnp.take(x, jnp.asarray(HIGH_IDX[i]), axis=1)
        lo = jnp.take(x, jnp.asarray(LOW_IDX[i]), axis=1)
        evs.append(jnp.sum(hi, axis=1) - jnp.sum(lo, axis=1))
    ev = jnp.stack(evs, axis=0)
    return jnp.transpose(ev, (1, 0))

if __name__ == "__main__":
    import jax
    _d = setup_inputs()
    print(jax.jit(kernel)(*tuple(_d.values())))

</pallas_src>

<mosaic_0001>
#map = affine_map<(d0, d1) -> (0, 0)>
module attributes {stable_mosaic.version = 14 : i64} {
  func.func @_decode_sc(%arg0: i32, %arg1: i32, %arg2: memref<16x16384xf32, #tpu.memory_space<hbm>>, %arg3: memref<2x16384xf32, #tpu.memory_space<hbm>>, %arg4: memref<16x1024xf32, #tpu.memory_space<vmem>>, %arg5: memref<2x1024xf32, #tpu.memory_space<vmem>>) attributes {dimension_semantics = [#tpu.dimension_semantics<core_parallel>, #tpu.dimension_semantics<subcore_parallel>], iteration_bounds = array<i64: 1, 16>, scalar_prefetch = 0 : i64, scratch_operands = 2 : i64, tpu.core_type = #tpu.core_type<sc_vector_subcore>, window_params = [{transform_indices = #map}, {transform_indices = #map}]} {
    %mul3A = arith.constant 1 : i32
    %mul3A_0 = arith.muli %arg1, %mul3A : i32
    %add3A = arith.addi %mul3A_0, %arg0 : i32
    %mul3A_1 = arith.constant 1024 : i32
    %mul3A_2 = arith.muli %add3A, %mul3A_1 : i32
    "tpu.region"() ({
      %run_scoped3A = tpu.sem_alloc : memref<!tpu.dma_semaphore, #tpu.memory_space<semaphore_mem>>
      %dma_start3A = arith.constant 0 : i32
      %dma_start3A_8 = tpu.memref_slice %arg2[%dma_start3A, %mul3A_2] : memref<16x16384xf32, #tpu.memory_space<hbm>> -> memref<16x1024xf32, #tpu.memory_space<hbm>>
      %dma_start3A_9 = arith.constant 0 : i32
      %dma_start3A_10 = tpu.memref_slice %arg2[%dma_start3A_9, %mul3A_2] : memref<16x16384xf32, #tpu.memory_space<hbm>> -> memref<16x1024xf32, #tpu.memory_space<hbm>>
      tpu.enqueue_dma source(%dma_start3A_10 : memref<16x1024xf32, #tpu.memory_space<hbm>>) target(%arg4 : memref<16x1024xf32, #tpu.memory_space<vmem>>) target_semaphore(%run_scoped3A : memref<!tpu.dma_semaphore, #tpu.memory_space<semaphore_mem>>)
      %dma_wait3A = arith.constant 0 : i32
      %dma_wait3A_11 = tpu.memref_slice %arg2[%dma_wait3A, %mul3A_2] : memref<16x16384xf32, #tpu.memory_space<hbm>> -> memref<16x1024xf32, #tpu.memory_space<hbm>>
      %dma_wait3A_12 = arith.constant 0 : i32
      %dma_wait3A_13 = tpu.memref_slice %arg2[%dma_wait3A_12, %mul3A_2] : memref<16x16384xf32, #tpu.memory_space<hbm>> -> memref<16x1024xf32, #tpu.memory_space<hbm>>
      tpu.wait_dma2 semaphore(%run_scoped3A : memref<!tpu.dma_semaphore, #tpu.memory_space<semaphore_mem>>) src(%dma_wait3A_13 : memref<16x1024xf32, #tpu.memory_space<hbm>>) dst(%arg4 : memref<16x1024xf32, #tpu.memory_space<vmem>>)
      tpu.yield
    }) : () -> ()
    %scan3A = arith.constant 0 : i32
    %scan3A_3 = arith.constant 0 : i32
    %scan3A_4 = arith.constant 64 : i32
    %scan3A_5 = arith.addi %scan3A_3, %scan3A_4 : i32
    %scan3A_6 = arith.constant 1 : i32
    scf.for %scan3A_8 = %scan3A_3 to %scan3A_5 step %scan3A_6  : i32 {
      %mul3A_9 = arith.constant 16 : i32
      %mul3A_10 = arith.muli %scan3A_8, %mul3A_9 : i32
      %multiple_of3A = tpu.assume_multiple %mul3A_10, 16 : i32
      %get3A = arith.constant 0 : i32
      %get3A_11 = arith.index_cast %get3A : i32 to index
      %get3A_12 = arith.index_cast %multiple_of3A : i32 to index
      %get3A_13 = tpu.vector_load %arg4[%get3A_11, %get3A_12] {strides = array<i32>} : memref<16x1024xf32, #tpu.memory_space<vmem>>, vector<16xf32>,
      %get3A_14 = arith.constant 1 : i32
      %get3A_15 = arith.index_cast %get3A_14 : i32 to index
      %get3A_16 = arith.index_cast %multiple_of3A : i32 to index
      %get3A_17 = tpu.vector_load %arg4[%get3A_15, %get3A_16] {strides = array<i32>} : memref<16x1024xf32, #tpu.memory_space<vmem>>, vector<16xf32>,
      %add3A_18 = arith.addf %get3A_13, %get3A_17 : vector<16xf32>
      %sub3A = arith.subf %get3A_13, %get3A_17 : vector<16xf32>
      %get3A_19 = arith.constant 2 : i32
      %get3A_20 = arith.index_cast %get3A_19 : i32 to index
      %get3A_21 = arith.index_cast %multiple_of3A : i32 to index
      %get3A_22 = tpu.vector_load %arg4[%get3A_20, %get3A_21] {strides = array<i32>} : memref<16x1024xf32, #tpu.memory_space<vmem>>, vector<16xf32>,
      %add3A_23 = arith.addf %add3A_18, %get3A_22 : vector<16xf32>
      %sub3A_24 = arith.subf %sub3A, %get3A_22 : vector<16xf32>
      %get3A_25 = arith.constant 3 : i32
      %get3A_26 = arith.index_cast %get3A_25 : i32 to index
      %get3A_27 = arith.index_cast %multiple_of3A : i32 to index
      %get3A_28 = tpu.vector_load %arg4[%get3A_26, %get3A_27] {strides = array<i32>} : memref<16x1024xf32, #tpu.memory_space<vmem>>, vector<16xf32>,
      %add3A_29 = arith.addf %add3A_23, %get3A_28 : vector<16xf32>
      %add3A_30 = arith.addf %sub3A_24, %get3A_28 : vector<16xf32>
      %get3A_31 = arith.constant 4 : i32
      %get3A_32 = arith.index_cast %get3A_31 : i32 to index
      %get3A_33 = arith.index_cast %multiple_of3A : i32 to index
      %get3A_34 = tpu.vector_load %arg4[%get3A_32, %get3A_33] {strides = array<i32>} : memref<16x1024xf32, #tpu.memory_space<vmem>>, vector<16xf32>,
      %sub3A_35 = arith.subf %add3A_29, %get3A_34 : vector<16xf32>
      %add3A_36 = arith.addf %add3A_30, %get3A_34 : vector<16xf32>
      %get3A_37 = arith.constant 5 : i32
      %get3A_38 = arith.index_cast %get3A_37 : i32 to index
      %get3A_39 = arith.index_cast %multiple_of3A : i32 to index
      %get3A_40 = tpu.vector_load %arg4[%get3A_38, %get3A_39] {strides = array<i32>} : memref<16x1024xf32, #tpu.memory_space<vmem>>, vector<16xf32>,
      %sub3A_41 = arith.subf %sub3A_35, %get3A_40 : vector<16xf32>
      %sub3A_42 = arith.subf %add3A_36, %get3A_40 : vector<16xf32>
      %get3A_43 = arith.constant 6 : i32
      %get3A_44 = arith.index_cast %get3A_43 : i32 to index
      %get3A_45 = arith.index_cast %multiple_of3A : i32 to index
      %get3A_46 = tpu.vector_load %arg4[%get3A_44, %get3A_45] {strides = array<i32>} : memref<16x1024xf32, #tpu.memory_space<vmem>>, vector<16xf32>,
      %sub3A_47 = arith.subf %sub3A_41, %get3A_46 : vector<16xf32>
      %sub3A_48 = arith.subf %sub3A_42, %get3A_46 : vector<16xf32>
      %get3A_49 = arith.constant 7 : i32
      %get3A_50 = arith.index_cast %get3A_49 : i32 to index
      %get3A_51 = arith.index_cast %multiple_of3A : i32 to index
      %get3A_52 = tpu.vector_load %arg4[%get3A_50, %get3A_51] {strides = array<i32>} : memref<16x1024xf32, #tpu.memory_space<vmem>>, vector<16xf32>,
      %sub3A_53 = arith.subf %sub3A_47, %get3A_52 : vector<16xf32>
      %add3A_54 = arith.addf %sub3A_48, %get3A_52 : vector<16xf32>
      %get3A_55 = arith.constant 8 : i32
      %get3A_56 = arith.index_cast %get3A_55 : i32 to index
      %get3A_57 = arith.index_cast %multiple_of3A : i32 to index
      %get3A_58 = tpu.vector_load %arg4[%get3A_56, %get3A_57] {strides = array<i32>} : memref<16x1024xf32, #tpu.memory_space<vmem>>, vector<16xf32>,
      %sub3A_59 = arith.subf %sub3A_53, %get3A_58 : vector<16xf32>
      %add3A_60 = arith.addf %add3A_54, %get3A_58 : vector<16xf32>
      %get3A_61 = arith.constant 9 : i32
      %get3A_62 = arith.index_cast %get3A_61 : i32 to index
      %get3A_63 = arith.index_cast %multiple_of3A : i32 to index
      %get3A_64 = tpu.vector_load %arg4[%get3A_62, %get3A_63] {strides = array<i32>} : memref<16x1024xf32, #tpu.memory_space<vmem>>, vector<16xf32>,
      %sub3A_65 = arith.subf %sub3A_59, %get3A_64 : vector<16xf32>
      %sub3A_66 = arith.subf %add3A_60, %get3A_64 : vector<16xf32>
      %get3A_67 = arith.constant 10 : i32
      %get3A_68 = arith.index_cast %get3A_67 : i32 to index
      %get3A_69 = arith.index_cast %multiple_of3A : i32 to index
      %get3A_70 = tpu.vector_load %arg4[%get3A_68, %get3A_69] {strides = array<i32>} : memref<16x1024xf32, #tpu.memory_space<vmem>>, vector<16xf32>,
      %sub3A_71 = arith.subf %sub3A_65, %get3A_70 : vector<16xf32>
      %sub3A_72 = arith.subf %sub3A_66, %get3A_70 : vector<16xf32>
      %get3A_73 = arith.constant 11 : i32
      %get3A_74 = arith.index_cast %get3A_73 : i32 to index
      %get3A_75 = arith.index_cast %multiple_of3A : i32 to index
      %get3A_76 = tpu.vector_load %arg4[%get3A_74, %get3A_75] {strides = array<i32>} : memref<16x1024xf32, #tpu.memory_space<vmem>>, vector<16xf32>,
      %sub3A_77 = arith.subf %sub3A_71, %get3A_76 : vector<16xf32>
      %add3A_78 = arith.addf %sub3A_72, %get3A_76 : vector<16xf32>
      %get3A_79 = arith.constant 12 : i32
      %get3A_80 = arith.index_cast %get3A_79 : i32 to index
      %get3A_81 = arith.index_cast %multiple_of3A : i32 to index
      %get3A_82 = tpu.vector_load %arg4[%get3A_80, %get3A_81] {strides = array<i32>} : memref<16x1024xf32, #tpu.memory_space<vmem>>, vector<16xf32>,
      %add3A_83 = arith.addf %sub3A_77, %get3A_82 : vector<16xf32>
      %add3A_84 = arith.addf %add3A_78, %get3A_82 : vector<16xf32>
      %get3A_85 = arith.constant 13 : i32
      %get3A_86 = arith.index_cast %get3A_85 : i32 to index
      %get3A_87 = arith.index_cast %multiple_of3A : i32 to index
      %get3A_88 = tpu.vector_load %arg4[%get3A_86, %get3A_87] {strides = array<i32>} : memref<16x1024xf32, #tpu.memory_space<vmem>>, vector<16xf32>,
      %add3A_89 = arith.addf %add3A_83, %get3A_88 : vector<16xf32>
      %sub3A_90 = arith.subf %add3A_84, %get3A_88 : vector<16xf32>
      %get3A_91 = arith.constant 14 : i32
      %get3A_92 = arith.index_cast %get3A_91 : i32 to index
      %get3A_93 = arith.index_cast %multiple_of3A : i32 to index
      %get3A_94 = tpu.vector_load %arg4[%get3A_92, %get3A_93] {strides = array<i32>} : memref<16x1024xf32, #tpu.memory_space<vmem>>, vector<16xf32>,
      %add3A_95 = arith.addf %add3A_89, %get3A_94 : vector<16xf32>
      %sub3A_96 = arith.subf %sub3A_90, %get3A_94 : vector<16xf32>
      %get3A_97 = arith.constant 15 : i32
      %get3A_98 = arith.index_cast %get3A_97 : i32 to index
      %get3A_99 = arith.index_cast %multiple_of3A : i32 to index
      %get3A_100 = tpu.vector_load %arg4[%get3A_98, %get3A_99] {strides = array<i32>} : memref<16x1024xf32, #tpu.memory_space<vmem>>, vector<16xf32>,
      %add3A_101 = arith.addf %add3A_95, %get3A_100 : vector<16xf32>
      %add3A_102 = arith.addf %sub3A_96, %get3A_100 : vector<16xf32>
      %swap3A = arith.constant 0 : i32
      %swap3A_103 = arith.index_cast %swap3A : i32 to index
      %swap3A_104 = arith.index_cast %multiple_of3A : i32 to index
      %swap3A_105 = tpu.vector_load %arg5[%swap3A_103, %swap3A_104] {strides = array<i32>} : memref<2x1024xf32, #tpu.memory_space<vmem>>, vector<16xf32>,
      tpu.vector_store %arg5[%swap3A_103, %swap3A_104], %add3A_101 {strides = array<i32>} : memref<2x1024xf32, #tpu.memory_space<vmem>>, vector<16xf32>,
      %swap3A_106 = arith.constant 1 : i32
      %swap3A_107 = arith.index_cast %swap3A_106 : i32 to index
      %swap3A_108 = arith.index_cast %multiple_of3A : i32 to index
      %swap3A_109 = tpu.vector_load %arg5[%swap3A_107, %swap3A_108] {strides = array<i32>} : memref<2x1024xf32, #tpu.memory_space<vmem>>, vector<16xf32>,
      tpu.vector_store %arg5[%swap3A_107, %swap3A_108], %add3A_102 {strides = array<i32>} : memref<2x1024xf32, #tpu.memory_space<vmem>>, vector<16xf32>,
    }
    %scan3A_7 = arith.constant 64 : i32
    "tpu.region"() ({
      %run_scoped3A = tpu.sem_alloc : memref<!tpu.dma_semaphore, #tpu.memory_space<semaphore_mem>>
      %dma_start3A = arith.constant 0 : i32
      %dma_start3A_8 = tpu.memref_slice %arg3[%dma_start3A, %mul3A_2] : memref<2x16384xf32, #tpu.memory_space<hbm>> -> memref<2x1024xf32, #tpu.memory_space<hbm>>
      %dma_start3A_9 = arith.constant 0 : i32
      %dma_start3A_10 = tpu.memref_slice %arg3[%dma_start3A_9, %mul3A_2] : memref<2x16384xf32, #tpu.memory_space<hbm>> -> memref<2x1024xf32, #tpu.memory_space<hbm>>
      tpu.enqueue_dma source(%arg5 : memref<2x1024xf32, #tpu.memory_space<vmem>>) target(%dma_start3A_10 : memref<2x1024xf32, #tpu.memory_space<hbm>>) target_semaphore(%run_scoped3A : memref<!tpu.dma_semaphore, #tpu.memory_space<semaphore_mem>>)
      %dma_wait3A = arith.constant 0 : i32
      %dma_wait3A_11 = tpu.memref_slice %arg3[%dma_wait3A, %mul3A_2] : memref<2x16384xf32, #tpu.memory_space<hbm>> -> memref<2x1024xf32, #tpu.memory_space<hbm>>
      %dma_wait3A_12 = arith.constant 0 : i32
      %dma_wait3A_13 = tpu.memref_slice %arg3[%dma_wait3A_12, %mul3A_2] : memref<2x16384xf32, #tpu.memory_space<hbm>> -> memref<2x1024xf32, #tpu.memory_space<hbm>>
      tpu.wait_dma2 semaphore(%run_scoped3A : memref<!tpu.dma_semaphore, #tpu.memory_space<semaphore_mem>>) src(%arg5 : memref<2x1024xf32, #tpu.memory_space<vmem>>) dst(%dma_wait3A_13 : memref<2x1024xf32, #tpu.memory_space<hbm>>)
      tpu.yield
    }) : () -> ()
    return
  }
}

</mosaic_0001>

<sc_bundles>
// kernel: kernel.3.cloned.1.call-start
scs
__scs_entry_jumppad:
0x0: {  	(pc) =	sbr.rel $0x88, $3  }
0x1: {  	(tag) =	ssettag $0x0;
	lr =	simm.s32 $0x1  }
0x2: {  	[smem:$0x3FA0] =	sst lr;
	_ =	strace $0xD0000000  }
0x3: {  	_ = 	snop  }
0x4: {  	_ = 	snop  }
0x5: {  	_ = 	snop  }
0x6: {  	_ = 	snop  }
0x7: {  	_ = 	snop  }
__scs_overlays_trampoline_lowered:
0x8: {  	[smem:$0x3FAF] =	sst s0  }
0x9: {  	[smem:$0x3FB0] =	sst s1  }
0xa: {  	[smem:$0x3FB1] =	sst s2  }
0xb: {  	[smem:$0x3FB2] =	sst s3  }
0xc: {  	[smem:$0x3FB3] =	sst s4  }
0xd: {  	[smem:$0x3FB4] =	sst s5  }
0xe: {  	[smem:$0x3FB5] =	sst s6  }
0xf: {  	[smem:$0x3FB6] =	sst s7  }
0x10: {  	[smem:$0x3FB7] =	sst s8  }
0x11: {  	[smem:$0x3FB8] =	sst s9;
	s0 =	simm.s32 @!p0 $0x0  }
0x12: {  	s1 =	sld [smem:$0x3F9E];
	s0 =	simm.s32 @p0 $0x1  }
0x13: {  	[smem:$0x3FB9] =	sst s0;
	s0 =	simm.s32 @!p1 $0x0  }
0x14: {  	s2 =	sld [smem:$0x3F9D];
	s0 =	simm.s32 @p1 $0x1  }
0x15: {  	[smem:$0x3FBA] =	sst s0;
	s0 =	simm.s32 @!p2 $0x0  }
0x16: {  	s3 =	sld [smem:$0x3FDB];
	s0 =	simm.s32 @p2 $0x1  }
0x17: {  	s4 =	simm.s32 $0x1BF5;
	[smem:$0x3FBC] =	sst s0  }
0x18: {  	s0 =	sld [smem:$0x3F9F];
	_ =	swait.ge [sflag:s4], $0x0  }
0x19: {  	s7 =	sld [smem:$0x3FA0]  }
0x1a: {  	s8 =	sadd.s32 $0xFFFFE003, lr  }
0x1b: {  	s9 =	sadd.s32 $0xFFFFFEF7, lr;
	s5 =	simm.s32 $0xFFFFFFFF;
	p2 =	slt.u32 s8, $0xFFFFF086  }
0x1c: {  	p1 =	slt.u32 s9, $0xF7A;
	s5 =	simm.s32 @!p2 $0x0  }
0x1d: {  	s5 =	simm.s32 @p1 $0x1;
	p0 =	seq.s32 s7, s2  }
0x1e: {  	s7 =	smul.u32 @!p0 $0xF7A, s2;
	p2 =	seq.s32 @!p0 s5, $0x0  }
0x1f: {  	s9 =	smul.u32 $0xF7A, s1;
	s8 =	simm.s32 @!p0 $0x1BF5;
	p2 =	por !p2, p0  }
0x20: {  	[sflag:s8] =	ssyncset.s32 @!p0 $0xFFFFF086;
	s6 =	sadd.s32 @!p0 s3, s7;
	s7 =	simm.s32 @!p0 $0x108  }
0x21: {  	s3 =	sadd.s32 s3, s9;
	s6 =	sadd.s32 @!p0 $0x88, s6;
	s7 =	simm.s32 @p2 $0x1082  }
0x22: {  	[simem:s7], [sflag:s8] =	dma.local @!p0 [hbm:s6], $0xF7A  }
0x23: {  	s9 =	sor.u32 $0xD0000000, s2;
	s6 =	simm.s32 $0x108;
	_ =	swait.ge @!p0 [sflag:s8], $0x0  }
0x24: {  	s3 =	sadd.s32 $0x88, s3;
	s6 =	simm.s32 @!p1 $0x1082;
	[sflag:s4] =	ssyncset.s32 $0xFFFFF086  }
0x25: {  	[simem:s6], [sflag:s4] =	dma.local [hbm:s3], $0xF7A  }
0x26: {  	[smem:$0x3FA0] =	sst s1;
	(tag) =	ssettag s2;
	_ =	strace s9  }
0x27: {  	s1 =	sld [smem:$0x3FB0]  }
0x28: {  	s2 =	sld [smem:$0x3FB1]  }
0x29: {  	s4 =	sld [smem:$0x3FB3]  }
0x2a: {  	p0 =	seq.s32 s5, $0x0;
	s5 =	sld [smem:$0x3FB4]  }
0x2b: {  	s6 =	sld [smem:$0x3FB5]  }
0x2c: {  	s7 =	sld [smem:$0x3FB6]  }
0x2d: {  	s3 =	simm.s32 $0x108;
	s8 =	sld [smem:$0x3FB7]  }
0x2e: {  	s3 =	simm.s32 @!p0 $0x1082;
	s9 =	sld [smem:$0x3FB8]  }
0x2f: {  	lr =	sadd.s32 s0, s3;
	s0 =	sld [smem:$0x3FAF]  }
0x30: {  	s3 =	sld [smem:$0x3FB2]  }
0x31: {  	[smem:$0x3FBB] =	sst s10  }
0x32: {  	s10 =	sld [smem:$0x3FB9];
	_ =	sdelay $0x3  }
0x33: {  	p0 =	seq.s32 s10, $0x1;
	s10 =	sld [smem:$0x3FBB];
	_ =	sdelay $0x3  }
0x34: {  	[smem:$0x3FBB] =	sst s10  }
0x35: {  	s10 =	sld [smem:$0x3FBA];
	_ =	sdelay $0x3  }
0x36: {  	p1 =	seq.s32 s10, $0x1;
	s10 =	sld [smem:$0x3FBB];
	_ =	sdelay $0x3  }
0x37: {  	[smem:$0x3FBB] =	sst s10  }
0x38: {  	s10 =	sld [smem:$0x3FBC]  }
0x39: {  	_ = 	snop;
	(pc) =	sbr.ind lr, $3  }
0x3a: {  	_ = 	snop  }
0x3b: {  	_ = 	snop  }
0x3c: {  	p2 =	seq.s32 s10, $0x1;
	s10 =	sld [smem:$0x3FBB]  }
0x3d: {  	_ =	shalt  }
0x3e: {  	_ =	shalt  }
0x3f: {  	_ =	shalt  }
0x40: {  	_ =	shalt  }
0x41: {  	_ =	shalt  }
0x42: {  	_ =	shalt  }
0x43: {  	_ =	shalt  }
0x44: {  	_ =	shalt  }
0x45: {  	_ =	shalt  }
0x46: {  	_ =	shalt  }
0x47: {  	_ =	shalt  }
0x48: {  	_ =	shalt  }
0x49: {  	_ =	shalt  }
0x4a: {  	_ =	shalt  }
0x4b: {  	_ =	shalt  }
0x4c: {  	_ =	shalt  }
0x4d: {  	_ =	shalt  }
0x4e: {  	_ =	shalt  }
0x4f: {  	_ =	shalt  }
0x50: {  	_ =	shalt  }
0x51: {  	_ =	shalt  }
0x52: {  	_ =	shalt  }
0x53: {  	_ =	shalt  }
0x54: {  	_ =	shalt  }
0x55: {  	_ =	shalt  }
0x56: {  	_ =	shalt  }
0x57: {  	_ =	shalt  }
0x58: {  	_ =	shalt  }
0x59: {  	_ =	shalt  }
0x5a: {  	_ =	shalt  }
0x5b: {  	_ =	shalt  }
0x5c: {  	_ =	shalt  }
0x5d: {  	_ =	shalt  }
0x5e: {  	_ =	shalt  }
0x5f: {  	_ =	shalt  }
0x60: {  	_ =	shalt  }
0x61: {  	_ =	shalt  }
0x62: {  	_ =	shalt  }
0x63: {  	_ =	shalt  }
0x64: {  	_ =	shalt  }
0x65: {  	_ =	shalt  }
0x66: {  	_ =	shalt  }
0x67: {  	_ =	shalt  }
0x68: {  	_ =	shalt  }
0x69: {  	_ =	shalt  }
0x6a: {  	_ =	shalt  }
0x6b: {  	_ =	shalt  }
0x6c: {  	_ =	shalt  }
0x6d: {  	_ =	shalt  }
0x6e: {  	_ =	shalt  }
0x6f: {  	_ =	shalt  }
0x70: {  	_ =	shalt  }
0x71: {  	_ =	shalt  }
0x72: {  	_ =	shalt  }
0x73: {  	_ =	shalt  }
0x74: {  	_ =	shalt  }
0x75: {  	_ =	shalt  }
0x76: {  	_ =	shalt  }
0x77: {  	_ =	shalt  }
0x78: {  	_ =	shalt  }
0x79: {  	_ =	shalt  }
0x7a: {  	_ =	shalt  }
0x7b: {  	_ =	shalt  }
0x7c: {  	_ =	shalt  }
0x7d: {  	_ =	shalt  }
0x7e: {  	_ =	shalt  }
0x7f: {  	_ =	shalt  }
0x80: {  	_ =	shalt  }
0x81: {  	_ =	shalt  }
0x82: {  	_ =	shalt  }
0x83: {  	_ =	shalt  }
0x84: {  	_ =	shalt  }
0x85: {  	_ =	shalt  }
0x86: {  	_ =	shalt  }
0x87: {  	_ =	shalt  }
.Lfunc_end0:
.L_simem_size_0:
called_computation_lowered:
.L_overlay_start_0:
0x88: {  	s0 =	sld [smem:$0x3FD9]  }
0x89: {  	s1 =	sld [smem:$0x3FFE];
	_ =	sdelay $0x3  }
0x8a: {  	s0 =	sadd.s32 s1, s0  }
0x8b: {  	[smem:$0x3FC7] =	sst s0  }
0x8c: {  	_ = 	snop  }
0x8d: {  	s0 =	sld [smem:$0x3FC9]  }
0x8e: {  	s17 =	sld [smem:$0x3FD0];
	(tm) =	ssettm $0x1  }
0x8f: {  	s2 =	sld [smem:$0x3FFB];
	_ =	sdelay $0x3  }
0x90: {  	_ =	strace s2  }
0x91: {  	s2 =	sld [smem:$0x3FFC];
	_ =	sdelay $0x3  }
0x92: {  	_ =	strace s2  }
0x93: {  	s2 =	sld [smem:$0x3FFD];
	_ =	sdelay $0x3  }
0x94: {  	_ =	strace s2  }
0x95: {  	_ =	strace $0x8FFFFFFF  }
0x96: {  	s18 =	sld [smem:$0x3FDB];
	_ =	sdelay $0x1  }
0x97: {  	s3 =	simm.s32 $_scs_section_size  }
0x98: {  	s4 =	simm.s32 $_size__tile_overlayer_lowered;
	s5 =	simm.s32 $_tile_overlayer_lowered  }
0x99: {  	s21 =	simm.s32 $0x1BFF;
	s20 =	sshll.u32 s5, $0x1;
	s2 =	sadd.s32 s3, s18  }
0x9a: {  	s6 =	simm.s32 $0x0;
	s19 =	sshll.u32 s4, $0x1;
	s4 =	sadd.s32 s20, s2  }
0x9b: {  	[timem:s6], [sflag:s21] =	dma.local [hbm:s4], s19  }
0x9c: {  	_ =	swait.ge [sflag:s21], s19  }
0x9d: {  	s3 =	ssub.s32 $0x0, s19;
	[sflag:s21] =	ssyncset.done $0x0  }
0x9e: {  	[sflag:s21] =	ssyncadd.s32 s3;
	_ =	sdelay $0x1  }
0x9f: {  	s22 =	simm.s32 $0x1B8B  }
0xa0: {  	_ =	swait.ge [sflag:s22], $0x1  }
0xa1: {  	[sflag:s22] =	ssyncset.done $0x0  }
0xa2: {  	s23 =	simm.s32 $0x1B8E;
	[sflag:s22] =	ssyncadd.s32 $0xFFFFFFFF  }
0xa3: {  	s24 =	simm.s32 $execute0_lowered;
	[smem:$0x3FD2] =	sst s23  }
0xa4: {  	s3 =	sshll.u32 s24, $0x1;
	_ =	strace $0x80000046;
	[dreg:$0x1] =	wrdreg $0xFFFFFFFF  }
0xa5: {  	s25 =	simm.s32 $_size_execute0_lowered;
	s2 =	sadd.s32 s2, s3;
	[dreg:$0x0] =	wrdreg $0x0  }
0xa6: {  	s3 =	sshll.u32 s25, $0x1;
	[dreg:$0x2] =	wrdreg s2  }
0xa7: {  	[dreg:$0x3] =	wrdreg s3  }
0xa8: {  	[dreg:$0x4] =	wrdreg $0xC0  }
0xa9: {  	_ =	task [dreg:s6], $0x5FFFF  }
0xaa: {  	[dreg:$0x1] =	wrdreg $0xFFFFFFFF  }
0xab: {  	[dreg:$0x0] =	wrdreg $0x60  }
0xac: {  	[dreg:$0x2] =	wrdreg s0  }
0xad: {  	[dreg:$0x3] =	wrdreg s17  }
0xae: {  	[dreg:$0x4] =	wrdreg $0x9  }
0xaf: {  	_ =	task.clear_ibuf [dreg:s6], $0x5FFFF;
	_ =	strace $0x90000046  }
0xb0: {  	s26 =	simm.s32 $0x9;
	_ =	strace $0x80000048  }
0xb1: {  	_ =	swait.ge [sflag:s26], $0x1  }
0xb2: {  	[sflag:s26] =	ssyncadd.s32 $0xFFFFFFFF  }
0xb3: {  	_ =	strace $0x90000048  }
0xb4: {  	_ =	sfence  }
0xb5: {  	s28 =	sld [smem:$0x0];
	_ =	sdelay $0x1  }
0xb6: {  	s29 =	srdreg.scid  }
0xb7: {  	s30 =	sshll.u32 s29, $0xD;
	s31 =	sshrl.u32 s29, $0x2  }
0xb8: {  	s1 =	sand.u32 $0x1, s29;
	s2 =	sand.u32 $0x4000, s30;
	s0 =	sadd.s32 s31, s28  }
0xb9: {  	s1 =	sor.u32 s2, s1;
	s0 =	sshll.u32 s0, $0x11  }
0xba: {  	s0 =	sor.u32 s0, s1  }
0xbb: {  	s0 =	sadd.s32 $0x8F2B, s0  }
0xbc: {  	[sflag:s0] =	ssyncadd.remote.s32 $0x1  }
0xbd: {  	_ =	sfence.sel $0xFFFF  }
0xbe: {  	[dreg:$0x0] =	wrdreg $0xFFFFFFFF;
	(pc) =	sbr.abs _section_cstart, $3  }
0xbf: {  	[dreg:$0x1] =	wrdreg $0xFFFFFFFF  }
0xc0: {  	_ =	task.clear_ibuf [dreg:s6], $0x2FFFF;
	_ =	strace $0x9FFFFFFF  }
0xc1: {  	(tm) =	ssettm $0x7FFFFFFF  }
tec
execute0_lowered:
.L_overlay_start_1:
0x0: {  	(tag) =	ssettag $0x1  }
0x1: {  	s3 =	rddreg [dreg:$0x0]  }
0x2: {  	s2 =	rddreg [dreg:$0x1]  }
0x3: {  	s0 =	rddreg [dreg:$0x2]  }
0x4: {  	s4 =	simm.s32 $0x0;
	s1 =	stileid.u32;
	s26 =	simm.s32 $0x2000  }
0x5: {  	s6 =	simm.s32 $0x20000;
	[smem:$0x7FF] =	sst s4;
	s5 =	sshll.u32 s1, $0xA  }
0x6: {  	s28 =	simm.s32 $0x1;
	_ =	strace $0x80000047;
	s3 =	sadd.s32 s3, s5  }
0x7: {  	[tilespmem:s4], [sflag:$0x1] =	stream.strided.gather [hbm4b:s3+s26], $0x4000, s6, s26, $0x38;
	[tilespmem:$0x4800] =	vst v63  }
0x8: {  	s29 =	simm.s32 $0x0;
	_ =	swait.ge [sflag:s28], $0x4000  }
0x9: {  	s5 =	sand.u32 $0x3FFFFC00, s29;
	s4 =	sand.u32 $0x70, s4;
	[sflag:s28] =	ssyncset.done $0x0  }
0xa: {  	s30 =	sor.u32 s4, s5;
	[sflag:s28] =	ssyncadd.s32 $0xFFFFC000  }
0xb: {  	v0 =	vld [tilespmem:s30+$0x0]  }
0xc: {  	v1 =	vld [tilespmem:s30+$0x80];
	_ =	sdelay $0x1  }
0xd: {  	v2 =	vld [tilespmem:s30+$0x100];
	_ =	sdelay $0x1  }
0xe: {  	v3 =	vld [tilespmem:s30+$0x180]  }
0xf: {  	v4 =	vadd.f32 v1, v0;
	v0 =	vsub.f32 v0, v1  }
0x10: {  	v1 =	vld [tilespmem:s30+$0x200]  }
0x11: {  	v4 =	vadd.f32 v2, v4;
	v0 =	vsub.f32 v0, v2  }
0x12: {  	v2 =	vld [tilespmem:s30+$0x280]  }
0x13: {  	v4 =	vadd.f32 v3, v4;
	v0 =	vadd.f32 v3, v0  }
0x14: {  	v3 =	vld [tilespmem:s30+$0x300]  }
0x15: {  	v4 =	vsub.f32 v4, v1;
	v0 =	vadd.f32 v1, v0  }
0x16: {  	v1 =	vld [tilespmem:s30+$0x380]  }
0x17: {  	v4 =	vsub.f32 v4, v2;
	v0 =	vsub.f32 v0, v2  }
0x18: {  	v2 =	vld [tilespmem:s30+$0x2000]  }
0x19: {  	v4 =	vsub.f32 v4, v3;
	v0 =	vsub.f32 v0, v3  }
0x1a: {  	v3 =	vld [tilespmem:s30+$0x2080]  }
0x1b: {  	v4 =	vsub.f32 v4, v1;
	v0 =	vadd.f32 v1, v0  }
0x1c: {  	v1 =	vld [tilespmem:s30+$0x2100]  }
0x1d: {  	v4 =	vsub.f32 v4, v2;
	v0 =	vadd.f32 v2, v0  }
0x1e: {  	v2 =	vld [tilespmem:s30+$0x2180]  }
0x1f: {  	v4 =	vsub.f32 v4, v3;
	v0 =	vsub.f32 v0, v3  }
0x20: {  	v3 =	vld [tilespmem:s30+$0x2200]  }
0x21: {  	v4 =	vsub.f32 v4, v1;
	v0 =	vsub.f32 v0, v1  }
0x22: {  	v1 =	vld [tilespmem:s30+$0x2280]  }
0x23: {  	v4 =	vsub.f32 v4, v2;
	v0 =	vadd.f32 v2, v0  }
0x24: {  	v2 =	vld [tilespmem:s30+$0x2300]  }
0x25: {  	v4 =	vadd.f32 v3, v4;
	v0 =	vadd.f32 v3, v0  }
0x26: {  	v3 =	vld [tilespmem:s30+$0x2380]  }
0x27: {  	v4 =	vadd.f32 v1, v4;
	v0 =	vsub.f32 v0, v1;
	_ =	sdelay $0x1  }
0x28: {  	v1 =	vadd.f32 v2, v4;
	v0 =	vsub.f32 v0, v2  }
0x29: {  	s31 =	simm.s32 $0x0;
	s8 =	simm.s32 $0x2  }
0x2a: {  	s7 =	sand.u32 $0x3FFFFF00, s31;
	s3 =	simm.s32 $0x1;
	s5 =	simm.s32 $0x10;
	v1 =	vadd.f32 v3, v1;
	v0 =	vadd.f32 v3, v0  }
.LBB2_1:
0x2b: {  	s9 =	sshll.u32 s3, $0x7  }
0x2c: {  	s10 =	sor.u32 s4, s7;
	s7 =	smov.u32 s8;
	s6 =	sadd.s32 $0x1, s8  }
0x2d: {  	p0 =	sne.s32 s8, $0x3F;
	s4 =	sand.u32 $0x70, s5;
	s8 =	sand.u32 $0x3FFFFC00, s9;
	[tilespmem:s10+$0x4000] =	vst v1  }
0x2e: {  	s8 =	sor.u32 s4, s8;
	[tilespmem:s10+$0x4080] =	vst v0  }
0x2f: {  	v0 =	vld [tilespmem:s8+$0x0]  }
0x30: {  	v1 =	vld [tilespmem:s8+$0x80];
	_ =	sdelay $0x1  }
0x31: {  	v2 =	vld [tilespmem:s8+$0x100];
	_ =	sdelay $0x1  }
0x32: {  	v3 =	vld [tilespmem:s8+$0x180]  }
0x33: {  	v4 =	vadd.f32 v1, v0;
	v0 =	vsub.f32 v0, v1  }
0x34: {  	v1 =	vld [tilespmem:s8+$0x200]  }
0x35: {  	v4 =	vadd.f32 v2, v4;
	v0 =	vsub.f32 v0, v2  }
0x36: {  	v2 =	vld [tilespmem:s8+$0x280]  }
0x37: {  	v4 =	vadd.f32 v3, v4;
	v0 =	vadd.f32 v3, v0  }
0x38: {  	v3 =	vld [tilespmem:s8+$0x300]  }
0x39: {  	v4 =	vsub.f32 v4, v1;
	v0 =	vadd.f32 v1, v0  }
0x3a: {  	v1 =	vld [tilespmem:s8+$0x380]  }
0x3b: {  	v4 =	vsub.f32 v4, v2;
	v0 =	vsub.f32 v0, v2  }
0x3c: {  	v2 =	vld [tilespmem:s8+$0x2000]  }
0x3d: {  	v4 =	vsub.f32 v4, v3;
	v0 =	vsub.f32 v0, v3  }
0x3e: {  	v3 =	vld [tilespmem:s8+$0x2080]  }
0x3f: {  	v4 =	vsub.f32 v4, v1;
	v0 =	vadd.f32 v1, v0  }
0x40: {  	v1 =	vld [tilespmem:s8+$0x2100]  }
0x41: {  	v4 =	vsub.f32 v4, v2;
	v0 =	vadd.f32 v2, v0  }
0x42: {  	v2 =	vld [tilespmem:s8+$0x2180]  }
0x43: {  	v4 =	vsub.f32 v4, v3;
	v0 =	vsub.f32 v0, v3  }
0x44: {  	v3 =	vld [tilespmem:s8+$0x2200]  }
0x45: {  	v4 =	vsub.f32 v4, v1;
	v0 =	vsub.f32 v0, v1  }
0x46: {  	v1 =	vld [tilespmem:s8+$0x2280]  }
0x47: {  	v4 =	vsub.f32 v4, v2;
	v0 =	vadd.f32 v2, v0  }
0x48: {  	v2 =	vld [tilespmem:s8+$0x2300]  }
0x49: {  	v4 =	vadd.f32 v3, v4;
	v0 =	vadd.f32 v3, v0  }
0x4a: {  	v3 =	vld [tilespmem:s8+$0x2380]  }
.Ltmp0:
0x4b: {  	v4 =	vadd.f32 v1, v4;
	v0 =	vsub.f32 v0, v1;
	(pc) =	sbr.rel @p0 .LBB2_1-.Ltmp0, $4  }
0x4c: {  	_ = 	snop  }
0x4d: {  	v1 =	vadd.f32 v2, v4;
	v0 =	vsub.f32 v0, v2  }
0x4e: {  	s8 =	sshll.u32 s3, $0x5;
	s3 =	smov.u32 s7  }
0x4f: {  	s5 =	sadd.s32 $0x10, s5;
	s7 =	sand.u32 $0x3FFFFF00, s8;
	s8 =	smov.u32 s6;
	v1 =	vadd.f32 v3, v1;
	v0 =	vadd.f32 v3, v0  }
0x50: {  	s6 =	sshll.u32 s3, $0x7;
	s4 =	sor.u32 s4, s7  }
0x51: {  	s5 =	sand.u32 $0x70, s5;
	s6 =	sand.u32 $0x3FFFFC00, s6;
	[tilespmem:s4+$0x4000] =	vst v1  }
0x52: {  	[tilespmem:s4+$0x4080] =	vst v0;
	s6 =	sor.u32 s5, s6  }
0x53: {  	v0 =	vld [tilespmem:s6+$0x0]  }
0x54: {  	v1 =	vld [tilespmem:s6+$0x80];
	_ =	sdelay $0x1  }
0x55: {  	v2 =	vld [tilespmem:s6+$0x100];
	_ =	sdelay $0x1  }
0x56: {  	v3 =	vld [tilespmem:s6+$0x180]  }
0x57: {  	v4 =	vadd.f32 v1, v0  }
0x58: {  	v51 =	vld [tilespmem:s6+$0x200];
	v0 =	vsub.f32 v0, v1  }
0x59: {  	v4 =	vadd.f32 v2, v4  }
0x5a: {  	v52 =	vld [tilespmem:s6+$0x280];
	v0 =	vsub.f32 v0, v2  }
0x5b: {  	v4 =	vadd.f32 v3, v4  }
0x5c: {  	v53 =	vld [tilespmem:s6+$0x300];
	v0 =	vadd.f32 v3, v0  }
0x5d: {  	v4 =	vsub.f32 v4, v51  }
0x5e: {  	v54 =	vld [tilespmem:s6+$0x380];
	v0 =	vadd.f32 v51, v0  }
0x5f: {  	v4 =	vsub.f32 v4, v52  }
0x60: {  	v55 =	vld [tilespmem:s6+$0x2000];
	v0 =	vsub.f32 v0, v52  }
0x61: {  	v4 =	vsub.f32 v4, v53  }
0x62: {  	v56 =	vld [tilespmem:s6+$0x2080];
	v0 =	vsub.f32 v0, v53  }
0x63: {  	v4 =	vsub.f32 v4, v54  }
0x64: {  	v57 =	vld [tilespmem:s6+$0x2100];
	v0 =	vadd.f32 v54, v0  }
0x65: {  	v4 =	vsub.f32 v4, v55  }
0x66: {  	v58 =	vld [tilespmem:s6+$0x2180];
	v0 =	vadd.f32 v55, v0  }
0x67: {  	v4 =	vsub.f32 v4, v56  }
0x68: {  	v59 =	vld [tilespmem:s6+$0x2200];
	v0 =	vsub.f32 v0, v56  }
0x69: {  	v4 =	vsub.f32 v4, v57  }
0x6a: {  	v60 =	vld [tilespmem:s6+$0x2280];
	v0 =	vsub.f32 v0, v57  }
0x6b: {  	v4 =	vsub.f32 v4, v58  }
0x6c: {  	v61 =	vld [tilespmem:s6+$0x2300];
	v0 =	vadd.f32 v58, v0  }
0x6d: {  	v4 =	vadd.f32 v59, v4  }
0x6e: {  	v62 =	vld [tilespmem:s6+$0x2380];
	v0 =	vadd.f32 v59, v0  }
0x6f: {  	v4 =	vadd.f32 v60, v4  }
0x70: {  	v0 =	vsub.f32 v0, v60  }
0x71: {  	v63 =	vadd.f32 v61, v4  }
0x72: {  	s26 =	sshll.u32 s3, $0x5;
	v0 =	vsub.f32 v0, v61  }
0x73: {  	s3 =	sand.u32 $0x3FFFFF00, s26;
	v1 =	vadd.f32 v62, v63  }
0x74: {  	s3 =	sor.u32 s5, s3;
	v0 =	vadd.f32 v62, v0  }
0x75: {  	s28 =	sshll.u32 s1, $0x8;
	s29 =	simm.s32 $0x0;
	[tilespmem:s3+$0x4000] =	vst v1  }
0x76: {  	s30 =	simm.s32 $0x4000;
	s31 =	simm.s32 $0x1;
	s2 =	sadd.s32 s2, s28;
	[tilespmem:s3+$0x4080] =	vst v0  }
0x77: {  	[hbm4b:s2+s29] =	stream.linear.scatter [tilespmem:s30], [sflag:$0x1], $0x800, $0x38;
	[tilespmem:$0x4800] =	vst v63  }
0x78: {  	_ =	swait.ge [sflag:s31], $0x800  }
0x79: {  	[sflag:s31] =	ssyncset.done $0x0  }
0x7a: {  	[sflag:s31] =	ssyncadd.s32 $0xFFFFF800  }
0x7b: {  	_ =	sfence.sel $0x180000  }
0x7c: {  	[bflag:$0x0] =	sbarrier.arrive $0xFFFF  }
0x7d: {  	p0 =	sne.s32 s1, $0x0;
	_ =	strace $0x90000047  }
0x7e: {  	s0 =	sadd.s32 @!p0 $0x100000, s0;
	[bflag:$0x2] =	sbarrier.arrive $0xFFFF  }
0x7f: {  	[sflag:s0] =	ssyncadd.tile.s32 @!p0 $0x1;
	_ =	shalt  }
.Lfunc_end2:
_tile_overlayer_lowered:
.L_overlay_start_2:
0x80: {  	(tag) =	ssettag $0x2  }
0x81: {  	s0 =	rddreg [dreg:$0x0];
	s2 =	stileid.u32  }
0x82: {  	s1 =	rddreg [dreg:$0x1];
	p0 =	sne.s32 s2, $0x0  }
0x83: {  	s3 =	rddreg [dreg:$0x2];
	[bflag:$0x3] =	sbarrier.arrive $0xFFFF;
	s2 =	simm.s32 @!p0 $0x1C01  }
0x84: {  	[timem:s3], [sflag:s2] =	dma.local @!p0 [hbm:s0], s1  }
0x85: {  	s0 =	simm.s32 @!p0 $0x1  }
0x86: {  	_ =	swait.ge @!p0 [sflag:s0], s1  }
0x87: {  	s1 =	ssub.s32 @!p0 $0x0, s1;
	[sflag:s0] =	ssyncset.done @!p0 $0x0  }
0x88: {  	[sflag:s0] =	ssyncadd.s32 @!p0 s1  }
0x89: {  	[bflag:$0x3] =	sbarrier.arrive $0xFFFF  }
0x8a: {  	_ =	shalt  }

</sc_bundles>
